<compile_context>
chip_gen: v7x
topology: tpu7x:2x2x1
jax: 0.10.2.dev20260603
libtpu: 0.0.44.dev20260713+nightly
codegen_flags: <defaults>
</compile_context>

<pallas_src>
import functools

import jax
import jax.numpy as jnp
from jax import lax
from jax.experimental import pallas as pl
from jax.experimental.pallas import tpu as pltpu
from jax.experimental.pallas import tpu_sc as plsc

_NUM_EMBED = 8192
_DIM = 256
_COMMIT = 0.25

_NB = 576
_KB = 1024


def _argmin_body(x_ref, e_ref, en_in_ref, idx_ref, loss_ref, e2_ref, loss_acc):
    n = pl.program_id(0)
    nn = pl.num_programs(0)
    xdl = x_ref[0]
    rowsq = jnp.sum(xdl * xdl, axis=0)[:, None]
    cols = lax.broadcasted_iota(jnp.int32, (_NB, _KB), 1).astype(jnp.float32)

    @pl.when(n == 0)
    def _():
        for j in range(_NUM_EMBED // _KB):
            eb = e_ref[pl.ds(j * _KB, _KB), :]
            e2_ref[pl.ds(j * _KB, _KB), :] = eb + eb

    best_val = None
    best_idx = None
    for j in range(_NUM_EMBED // _KB):
        enorm = en_in_ref[j, :]
        prod2 = lax.dot_general(xdl, e2_ref[pl.ds(j * _KB, _KB), :],
                                (((0,), (1,)), ((), ())),
                                preferred_element_type=jnp.float32)
        scores = (rowsq + enorm[None, :]) - prod2
        bmin = jnp.min(scores, axis=1, keepdims=True)
        bidx = jnp.min(jnp.where(scores == bmin, cols, float(_NUM_EMBED)),
                       axis=1, keepdims=True) + float(j * _KB)
        if j == 0:
            best_val, best_idx = bmin, bidx
        else:
            upd = bmin < best_val
            best_val = jnp.where(upd, bmin, best_val)
            best_idx = jnp.where(upd, bidx, best_idx)

    idx_ref[...] = best_idx.astype(jnp.int32)
    partial = jnp.sum(best_val)
    tot = jnp.where(n == 0, 0.0, loss_acc[0, 0]) + partial
    loss_acc[0, 0] = tot

    @pl.when(n == nn - 1)
    def _():
        loss_ref[0, 0] = tot


def _argmin_call(x, emb, interpret=False):
    b = x.shape[0]
    n_tok = b * x.shape[2]
    return pl.pallas_call(
        _argmin_body,
        grid=(b,),
        in_specs=[
            pl.BlockSpec((1, _DIM, _NB), lambda n: (n, 0, 0)),
            pl.BlockSpec((_NUM_EMBED, _DIM), lambda n: (0, 0)),
            pl.BlockSpec((_NUM_EMBED // _KB, _KB), lambda n: (0, 0)),
        ],
        out_specs=[
            pl.BlockSpec((_NB, 1), lambda n: (n, 0)),
            pl.BlockSpec((1, 1), lambda n: (0, 0), memory_space=pltpu.SMEM),
        ],
        out_shape=[
            jax.ShapeDtypeStruct((n_tok, 1), jnp.int32),
            jax.ShapeDtypeStruct((1, 1), jnp.float32),
        ],
        scratch_shapes=[
            pltpu.VMEM((_NUM_EMBED, _DIM), jnp.float32),
            pltpu.SMEM((1, 1), jnp.float32),
        ],
        interpret=interpret,
    )(x, emb, jnp.sum(emb ** 2, axis=1).reshape(_NUM_EMBED // _KB, _KB))


def _make_gather(n_tok):
    info = plsc.get_sparse_core_info()
    nc, ns = info.num_cores, info.num_subcores
    nw = nc * ns
    b_per_w = n_tok // nw
    mesh = plsc.VectorSubcoreMesh(core_axis_name="c", subcore_axis_name="s")

    @functools.partial(
        pl.kernel,
        mesh=mesh,
        out_type=jax.ShapeDtypeStruct((n_tok, _DIM), jnp.float32),
        scratch_types=[
            pltpu.VMEM((b_per_w,), jnp.int32),
            pltpu.VMEM((b_per_w, _DIM), jnp.float32),
            pltpu.SemaphoreType.DMA,
        ],
    )
    def gather(table_hbm, idx_hbm, out_hbm, idx_v, rows_v, sem):
        wid = lax.axis_index("s") * nc + lax.axis_index("c")
        base = wid * b_per_w
        pltpu.sync_copy(idx_hbm.at[pl.ds(base, b_per_w)], idx_v)
        pltpu.async_copy(table_hbm.at[idx_v], rows_v, sem).wait()
        pltpu.sync_copy(rows_v, out_hbm.at[pl.ds(base, b_per_w)])

    return gather


def kernel(x, embedding_weight):
    b, d, l = x.shape
    n_tok = b * l

    idx2d, loss11 = _argmin_call(x, embedding_weight)
    loss = _COMMIT * loss11[0, 0] / (n_tok * _DIM)

    q = _make_gather(n_tok)(embedding_weight, idx2d.reshape(-1))
    quantizer = q.reshape(b, d, l)
    return (quantizer, loss, idx2d)

# --- scband reference (transcript-rebuilt; emitter-appended) ---
"""Pipeline reference for scband-vq-quantizer-15255723836213 (READ-ONLY COPY).

The authoritative reference and input builder live on the scoring server;
editing this copy changes nothing except your own understanding.
"""

import jax, jax.numpy as jnp
import numpy as np

NUM_EMBED = 8192
DIM_EMBED = 256
COMMIT_LOSS = 0.25

def setup_inputs(seed: int = 0):
    key = jax.random.key(seed)
    k1, k2 = jax.random.split(key)
    x = jax.random.normal(k1, (8, 256, 576), dtype=jnp.float32)
    embedding_weight = jax.random.uniform(k2, (NUM_EMBED, DIM_EMBED), dtype=jnp.float32, minval=0.0, maxval=1.0 / NUM_EMBED)
    return {"x": x, "embedding_weight": embedding_weight}

def reference(x, embedding_weight):
    # eval-mode forward (no EMA update, no index noise)
    x_shape = x.shape  # (B, D, L)
    xp = jnp.transpose(x, (0, 2, 1))  # (B, L, D), contiguous in torch
    x_flat = xp.reshape(-1, DIM_EMBED)  # (B*L, D)
    dist = (jnp.sum(x_flat ** 2, axis=1, keepdims=True)
            + jnp.sum(embedding_weight ** 2, axis=1)
            - 2.0 * jnp.matmul(x_flat, embedding_weight.T))  # (B*L, K)
    embed_indices = jnp.argmin(dist, axis=1)[:, None]  # (B*L, 1)
    # torch scatter_(1, embed_indices, 1) on zeros_like(dist) -> one-hot rows
    rows = jnp.arange(dist.shape[0])[:, None]
    embed_Matrix = jnp.zeros_like(dist).at[rows, embed_indices].set(1.0)
    quantizer = jnp.matmul(embed_Matrix, embedding_weight)  # (B*L, D)
    # faithful to original: view back to x_shape (B, D, L) then permute -> scrambles layout exactly like torch code
    quantizer = jnp.transpose(quantizer.reshape(x_shape), (0, 2, 1))  # (B, L, D)
    e_loss = jnp.mean((jax.lax.stop_gradient(quantizer) - xp) ** 2)
    loss = COMMIT_LOSS * e_loss
    quantizer = xp + jax.lax.stop_gradient(quantizer - xp)  # straight-through
    quantizer = jnp.transpose(quantizer, (0, 2, 1))  # (B, D, L)
    return (quantizer, loss, embed_indices)

if __name__ == "__main__":
    import jax
    _d = setup_inputs()
    print(jax.jit(kernel)(*tuple(_d.values())))

</pallas_src>

<mosaic_0001>
#map = affine_map<(d0, d1) -> (0, 0)>
#map1 = affine_map<(d0, d1) -> (0)>
module attributes {stable_mosaic.version = 14 : i64} {
  func.func @gather(%arg0: i32, %arg1: i32, %arg2: memref<8192x256xf32, #tpu.memory_space<hbm>>, %arg3: memref<4608xi32, #tpu.memory_space<hbm>>, %arg4: memref<4608x256xf32, #tpu.memory_space<hbm>>, %arg5: memref<144xi32, #tpu.memory_space<vmem>>, %arg6: memref<144x256xf32, #tpu.memory_space<vmem>>, %arg7: memref<!tpu.dma_semaphore, #tpu.memory_space<semaphore_mem>>) attributes {dimension_semantics = [#tpu.dimension_semantics<core_parallel>, #tpu.dimension_semantics<subcore_parallel>], iteration_bounds = array<i64: 2, 16>, scalar_prefetch = 0 : i64, scratch_operands = 3 : i64, tpu.core_type = #tpu.core_type<sc_vector_subcore>, window_params = [{transform_indices = #map}, {transform_indices = #map1}, {transform_indices = #map}]} {
    %mul3A = arith.constant 2 : i32
    %mul3A_0 = arith.muli %arg1, %mul3A : i32
    %add3A = arith.addi %mul3A_0, %arg0 : i32
    %mul3A_1 = arith.constant 144 : i32
    %mul3A_2 = arith.muli %add3A, %mul3A_1 : i32
    "tpu.region"() ({
      %run_scoped3A = tpu.sem_alloc : memref<!tpu.dma_semaphore, #tpu.memory_space<semaphore_mem>>
      %dma_start3A_7 = tpu.memref_slice %arg3[%mul3A_2] : memref<4608xi32, #tpu.memory_space<hbm>> -> memref<144xi32, #tpu.memory_space<hbm>>
      %dma_start3A_8 = tpu.memref_slice %arg3[%mul3A_2] : memref<4608xi32, #tpu.memory_space<hbm>> -> memref<144xi32, #tpu.memory_space<hbm>>
      tpu.enqueue_dma source(%dma_start3A_8 : memref<144xi32, #tpu.memory_space<hbm>>) target(%arg5 : memref<144xi32, #tpu.memory_space<vmem>>) target_semaphore(%run_scoped3A : memref<!tpu.dma_semaphore, #tpu.memory_space<semaphore_mem>>)
      %dma_wait3A_9 = tpu.memref_slice %arg3[%mul3A_2] : memref<4608xi32, #tpu.memory_space<hbm>> -> memref<144xi32, #tpu.memory_space<hbm>>
      %dma_wait3A_10 = tpu.memref_slice %arg3[%mul3A_2] : memref<4608xi32, #tpu.memory_space<hbm>> -> memref<144xi32, #tpu.memory_space<hbm>>
      tpu.wait_dma2 semaphore(%run_scoped3A : memref<!tpu.dma_semaphore, #tpu.memory_space<semaphore_mem>>) src(%dma_wait3A_10 : memref<144xi32, #tpu.memory_space<hbm>>) dst(%arg5 : memref<144xi32, #tpu.memory_space<vmem>>)
      tpu.yield
    }) : () -> ()
    %dma_start3A = arith.constant 0 : i32
    %dma_start3A_3 = arith.constant 0 : i32
    %dma_start3A_4 = tpu.memref_slice %arg2[%dma_start3A, %dma_start3A_3] : memref<8192x256xf32, #tpu.memory_space<hbm>> -> memref<8192x256xf32, #tpu.memory_space<hbm>>
    tpu.enqueue_indirect_dma source(%dma_start3A_4 : memref<8192x256xf32, #tpu.memory_space<hbm>>) target(%arg6 : memref<144x256xf32, #tpu.memory_space<vmem>>) offsets(%arg5 : memref<144xi32, #tpu.memory_space<vmem>>) semaphore(%arg7 : memref<!tpu.dma_semaphore, #tpu.memory_space<semaphore_mem>>)
    %dma_wait3A = arith.constant 0 : i32
    %dma_wait3A_5 = arith.constant 0 : i32
    %dma_wait3A_6 = tpu.memref_slice %arg2[%dma_wait3A, %dma_wait3A_5] : memref<8192x256xf32, #tpu.memory_space<hbm>> -> memref<8192x256xf32, #tpu.memory_space<hbm>>
    tpu.wait_indirect_dma semaphore(%arg7 : memref<!tpu.dma_semaphore, #tpu.memory_space<semaphore_mem>>) src(%dma_wait3A_6 : memref<8192x256xf32, #tpu.memory_space<hbm>>) dst(%arg6 : memref<144x256xf32, #tpu.memory_space<vmem>>)
    "tpu.region"() ({
      %run_scoped3A = tpu.sem_alloc : memref<!tpu.dma_semaphore, #tpu.memory_space<semaphore_mem>>
      %dma_start3A_7 = arith.constant 0 : i32
      %dma_start3A_8 = tpu.memref_slice %arg4[%mul3A_2, %dma_start3A_7] : memref<4608x256xf32, #tpu.memory_space<hbm>> -> memref<144x256xf32, #tpu.memory_space<hbm>>
      %dma_start3A_9 = arith.constant 0 : i32
      %dma_start3A_10 = tpu.memref_slice %arg4[%mul3A_2, %dma_start3A_9] : memref<4608x256xf32, #tpu.memory_space<hbm>> -> memref<144x256xf32, #tpu.memory_space<hbm>>
      tpu.enqueue_dma source(%arg6 : memref<144x256xf32, #tpu.memory_space<vmem>>) target(%dma_start3A_10 : memref<144x256xf32, #tpu.memory_space<hbm>>) target_semaphore(%run_scoped3A : memref<!tpu.dma_semaphore, #tpu.memory_space<semaphore_mem>>)
      %dma_wait3A_11 = arith.constant 0 : i32
      %dma_wait3A_12 = tpu.memref_slice %arg4[%mul3A_2, %dma_wait3A_11] : memref<4608x256xf32, #tpu.memory_space<hbm>> -> memref<144x256xf32, #tpu.memory_space<hbm>>
      %dma_wait3A_13 = arith.constant 0 : i32
      %dma_wait3A_14 = tpu.memref_slice %arg4[%mul3A_2, %dma_wait3A_13] : memref<4608x256xf32, #tpu.memory_space<hbm>> -> memref<144x256xf32, #tpu.memory_space<hbm>>
      tpu.wait_dma2 semaphore(%run_scoped3A : memref<!tpu.dma_semaphore, #tpu.memory_space<semaphore_mem>>) src(%arg6 : memref<144x256xf32, #tpu.memory_space<vmem>>) dst(%dma_wait3A_14 : memref<144x256xf32, #tpu.memory_space<hbm>>)
      tpu.yield
    }) : () -> ()
    return
  }
}

module attributes {stable_mosaic.version = 14 : i64} {
  func.func @_argmin_body(%arg0: i32, %arg1: memref<1x256x576xf32, #tpu.memory_space<vmem>>, %arg2: memref<8192x256xf32, #tpu.memory_space<vmem>>, %arg3: memref<8x1024xf32, #tpu.memory_space<vmem>>, %arg4: memref<576x1xi32, #tpu.memory_space<vmem>>, %arg5: memref<1x1xf32, #tpu.memory_space<smem>>, %arg6: memref<8192x256xf32, #tpu.memory_space<vmem>>, %arg7: memref<1x1xf32, #tpu.memory_space<smem>>) attributes {dimension_semantics = [#tpu.dimension_semantics<arbitrary>], iteration_bounds = array<i64: 8>, scalar_prefetch = 0 : i64, scratch_operands = 2 : i64, tpu.core_type = #tpu.core_type<tc>, window_params = [{transform_indices = @transform_0, window_bounds = array<i64: 1, 256, 576>}, {pipeline_mode = #tpu.pipeline_mode<synchronous>, transform_indices = @transform_1, window_bounds = array<i64: 8192, 256>}, {pipeline_mode = #tpu.pipeline_mode<synchronous>, transform_indices = @transform_2, window_bounds = array<i64: 8, 1024>}, {transform_indices = @transform_3, window_bounds = array<i64: 576, 1>}, {transform_indices = @transform_4, window_bounds = array<i64: 1, 1>}]} {
    %get3A = arith.constant 0 : index
    %get3A_0 = arith.constant 0 : index
    %get3A_1 = arith.constant 0 : index
    %get3A_2 = vector.load %arg1[%get3A, %get3A_0, %get3A_1] : memref<1x256x576xf32, #tpu.memory_space<vmem>>, vector<1x256x576xf32>
    %get3A_3 = vector.shape_cast %get3A_2 : vector<1x256x576xf32> to vector<256x576xf32>
    %mul3A = arith.mulf %get3A_3, %get3A_3 : vector<256x576xf32>
    %reduce_sum3A = arith.constant dense<0.000000e+00> : vector<576xf32>
    %reduce_sum3A_4 = vector.multi_reduction <add>, %mul3A, %reduce_sum3A [0] : vector<256x576xf32> to vector<576xf32>
    %broadcast_in_dim3A = vector.shape_cast %reduce_sum3A_4 : vector<576xf32> to vector<576x1xf32>
    %iota3A = tpu.iota {dimensions = array<i32: 1>} : vector<576x1024xi32>
    %convert_element_type3A = arith.sitofp %iota3A : vector<576x1024xi32> to vector<576x1024xf32>
    %eq3A = arith.constant 0 : i32
    %eq3A_5 = arith.cmpi eq, %arg0, %eq3A : i32
    %convert_element_type3A_6 = arith.extui %eq3A_5 : i1 to i32
    %cond3A = arith.constant 0 : i32
    %cond3A_7 = arith.cmpi ne, %convert_element_type3A_6, %cond3A : i32
    scf.if %cond3A_7 {
      %get3A_270 = arith.constant 0 : index
      %get3A_271 = arith.constant 0 : index
      %get3A_272 = vector.load %arg2[%get3A_270, %get3A_271] : memref<8192x256xf32, #tpu.memory_space<vmem>>, vector<1024x256xf32>
      %add3A_273 = arith.addf %get3A_272, %get3A_272 : vector<1024x256xf32>
      %swap3A_274 = arith.constant 0 : index
      %swap3A_275 = arith.constant 0 : index
      %swap3A_276 = vector.load %arg6[%swap3A_274, %swap3A_275] : memref<8192x256xf32, #tpu.memory_space<vmem>>, vector<1024x256xf32>
      tpu.vector_store %arg6[%swap3A_274, %swap3A_275], %add3A_273 {strides = array<i32>} : memref<8192x256xf32, #tpu.memory_space<vmem>>, vector<1024x256xf32>,
      %get3A_277 = arith.constant 1024 : index
      %get3A_278 = arith.constant 0 : index
      %get3A_279 = vector.load %arg2[%get3A_277, %get3A_278] : memref<8192x256xf32, #tpu.memory_space<vmem>>, vector<1024x256xf32>
      %add3A_280 = arith.addf %get3A_279, %get3A_279 : vector<1024x256xf32>
      %swap3A_281 = arith.constant 1024 : index
      %swap3A_282 = arith.constant 0 : index
      %swap3A_283 = vector.load %arg6[%swap3A_281, %swap3A_282] : memref<8192x256xf32, #tpu.memory_space<vmem>>, vector<1024x256xf32>
      tpu.vector_store %arg6[%swap3A_281, %swap3A_282], %add3A_280 {strides = array<i32>} : memref<8192x256xf32, #tpu.memory_space<vmem>>, vector<1024x256xf32>,
      %get3A_284 = arith.constant 2048 : index
      %get3A_285 = arith.constant 0 : index
      %get3A_286 = vector.load %arg2[%get3A_284, %get3A_285] : memref<8192x256xf32, #tpu.memory_space<vmem>>, vector<1024x256xf32>
      %add3A_287 = arith.addf %get3A_286, %get3A_286 : vector<1024x256xf32>
      %swap3A_288 = arith.constant 2048 : index
      %swap3A_289 = arith.constant 0 : index
      %swap3A_290 = vector.load %arg6[%swap3A_288, %swap3A_289] : memref<8192x256xf32, #tpu.memory_space<vmem>>, vector<1024x256xf32>
      tpu.vector_store %arg6[%swap3A_288, %swap3A_289], %add3A_287 {strides = array<i32>} : memref<8192x256xf32, #tpu.memory_space<vmem>>, vector<1024x256xf32>,
      %get3A_291 = arith.constant 3072 : index
      %get3A_292 = arith.constant 0 : index
      %get3A_293 = vector.load %arg2[%get3A_291, %get3A_292] : memref<8192x256xf32, #tpu.memory_space<vmem>>, vector<1024x256xf32>
      %add3A_294 = arith.addf %get3A_293, %get3A_293 : vector<1024x256xf32>
      %swap3A_295 = arith.constant 3072 : index
      %swap3A_296 = arith.constant 0 : index
      %swap3A_297 = vector.load %arg6[%swap3A_295, %swap3A_296] : memref<8192x256xf32, #tpu.memory_space<vmem>>, vector<1024x256xf32>
      tpu.vector_store %arg6[%swap3A_295, %swap3A_296], %add3A_294 {strides = array<i32>} : memref<8192x256xf32, #tpu.memory_space<vmem>>, vector<1024x256xf32>,
      %get3A_298 = arith.constant 4096 : index
      %get3A_299 = arith.constant 0 : index
      %get3A_300 = vector.load %arg2[%get3A_298, %get3A_299] : memref<8192x256xf32, #tpu.memory_space<vmem>>, vector<1024x256xf32>
      %add3A_301 = arith.addf %get3A_300, %get3A_300 : vector<1024x256xf32>
      %swap3A_302 = arith.constant 4096 : index
      %swap3A_303 = arith.constant 0 : index
      %swap3A_304 = vector.load %arg6[%swap3A_302, %swap3A_303] : memref<8192x256xf32, #tpu.memory_space<vmem>>, vector<1024x256xf32>
      tpu.vector_store %arg6[%swap3A_302, %swap3A_303], %add3A_301 {strides = array<i32>} : memref<8192x256xf32, #tpu.memory_space<vmem>>, vector<1024x256xf32>,
      %get3A_305 = arith.constant 5120 : index
      %get3A_306 = arith.constant 0 : index
      %get3A_307 = vector.load %arg2[%get3A_305, %get3A_306] : memref<8192x256xf32, #tpu.memory_space<vmem>>, vector<1024x256xf32>
      %add3A_308 = arith.addf %get3A_307, %get3A_307 : vector<1024x256xf32>
      %swap3A_309 = arith.constant 5120 : index
      %swap3A_310 = arith.constant 0 : index
      %swap3A_311 = vector.load %arg6[%swap3A_309, %swap3A_310] : memref<8192x256xf32, #tpu.memory_space<vmem>>, vector<1024x256xf32>
      tpu.vector_store %arg6[%swap3A_309, %swap3A_310], %add3A_308 {strides = array<i32>} : memref<8192x256xf32, #tpu.memory_space<vmem>>, vector<1024x256xf32>,
      %get3A_312 = arith.constant 6144 : index
      %get3A_313 = arith.constant 0 : index
      %get3A_314 = vector.load %arg2[%get3A_312, %get3A_313] : memref<8192x256xf32, #tpu.memory_space<vmem>>, vector<1024x256xf32>
      %add3A_315 = arith.addf %get3A_314, %get3A_314 : vector<1024x256xf32>
      %swap3A_316 = arith.constant 6144 : index
      %swap3A_317 = arith.constant 0 : index
      %swap3A_318 = vector.load %arg6[%swap3A_316, %swap3A_317] : memref<8192x256xf32, #tpu.memory_space<vmem>>, vector<1024x256xf32>
      tpu.vector_store %arg6[%swap3A_316, %swap3A_317], %add3A_315 {strides = array<i32>} : memref<8192x256xf32, #tpu.memory_space<vmem>>, vector<1024x256xf32>,
      %get3A_319 = arith.constant 7168 : index
      %get3A_320 = arith.constant 0 : index
      %get3A_321 = vector.load %arg2[%get3A_319, %get3A_320] : memref<8192x256xf32, #tpu.memory_space<vmem>>, vector<1024x256xf32>
      %add3A_322 = arith.addf %get3A_321, %get3A_321 : vector<1024x256xf32>
      %swap3A_323 = arith.constant 7168 : index
      %swap3A_324 = arith.constant 0 : index
      %swap3A_325 = vector.load %arg6[%swap3A_323, %swap3A_324] : memref<8192x256xf32, #tpu.memory_space<vmem>>, vector<1024x256xf32>
      tpu.vector_store %arg6[%swap3A_323, %swap3A_324], %add3A_322 {strides = array<i32>} : memref<8192x256xf32, #tpu.memory_space<vmem>>, vector<1024x256xf32>,
    } else {
    }
    %get3A_8 = arith.constant 0 : index
    %get3A_9 = arith.constant 0 : index
    %get3A_10 = vector.load %arg3[%get3A_8, %get3A_9] : memref<8x1024xf32, #tpu.memory_space<vmem>>, vector<1x1024xf32>
    %get3A_11 = vector.shape_cast %get3A_10 : vector<1x1024xf32> to vector<1024xf32>
    %get3A_12 = arith.constant 0 : index
    %get3A_13 = arith.constant 0 : index
    %get3A_14 = vector.load %arg6[%get3A_12, %get3A_13] : memref<8192x256xf32, #tpu.memory_space<vmem>>, vector<1024x256xf32>
    %dot_general3A = arith.constant dense<0.000000e+00> : vector<576x1024xf32>
    %dot_general3A_15 = tpu.matmul %get3A_3, %get3A_14, %dot_general3A {dimension_numbers = #tpu.dot_dimension_numbers<[0], [1], [1], [0], [0, 1, 1, 0], [], []>, transpose_lhs_hint = false} : vector<256x576xf32>, vector<1024x256xf32>, vector<576x1024xf32> -> vector<576x1024xf32>
    %broadcast_in_dim3A_16 = vector.shape_cast %get3A_11 : vector<1024xf32> to vector<1x1024xf32>
    %add3A = vector.broadcast %broadcast_in_dim3A : vector<576x1xf32> to vector<576x1024xf32>
    %add3A_17 = vector.broadcast %broadcast_in_dim3A_16 : vector<1x1024xf32> to vector<576x1024xf32>
    %add3A_18 = arith.addf %add3A, %add3A_17 : vector<576x1024xf32>
    %sub3A = arith.subf %add3A_18, %dot_general3A_15 : vector<576x1024xf32>
    %reduce_min3A = arith.constant dense<0x7F800000> : vector<576xf32>
    %reduce_min3A_19 = vector.multi_reduction <minimumf>, %sub3A, %reduce_min3A [1] : vector<576x1024xf32> to vector<576xf32>
    %broadcast_in_dim3A_20 = vector.shape_cast %reduce_min3A_19 : vector<576xf32> to vector<576x1xf32>
    %eq3A_21 = vector.broadcast %broadcast_in_dim3A_20 : vector<576x1xf32> to vector<576x1024xf32>
    %eq3A_22 = arith.cmpf oeq, %sub3A, %eq3A_21 : vector<576x1024xf32>
    %jit3A = arith.constant 8.192000e+03 : f32
    %broadcast_in_dim3A_23 = vector.broadcast %jit3A : f32 to vector<576x1024xf32>
    %select_n3A = arith.select %eq3A_22, %convert_element_type3A, %broadcast_in_dim3A_23 : vector<576x1024xi1>, vector<576x1024xf32>
    %reduce_min3A_24 = arith.constant dense<0x7F800000> : vector<576xf32>
    %reduce_min3A_25 = vector.multi_reduction <minimumf>, %select_n3A, %reduce_min3A_24 [1] : vector<576x1024xf32> to vector<576xf32>
    %broadcast_in_dim3A_26 = vector.shape_cast %reduce_min3A_25 : vector<576xf32> to vector<576x1xf32>
    %add3A_27 = arith.constant 0.000000e+00 : f32
    %add3A_28 = vector.broadcast %add3A_27 : f32 to vector<576x1xf32>
    %add3A_29 = arith.addf %broadcast_in_dim3A_26, %add3A_28 : vector<576x1xf32>
    %get3A_30 = arith.constant 1 : index
    %get3A_31 = arith.constant 0 : index
    %get3A_32 = vector.load %arg3[%get3A_30, %get3A_31] : memref<8x1024xf32, #tpu.memory_space<vmem>>, vector<1x1024xf32>
    %get3A_33 = vector.shape_cast %get3A_32 : vector<1x1024xf32> to vector<1024xf32>
    %get3A_34 = arith.constant 1024 : index
    %get3A_35 = arith.constant 0 : index
    %get3A_36 = vector.load %arg6[%get3A_34, %get3A_35] : memref<8192x256xf32, #tpu.memory_space<vmem>>, vector<1024x256xf32>
    %dot_general3A_37 = arith.constant dense<0.000000e+00> : vector<576x1024xf32>
    %dot_general3A_38 = tpu.matmul %get3A_3, %get3A_36, %dot_general3A_37 {dimension_numbers = #tpu.dot_dimension_numbers<[0], [1], [1], [0], [0, 1, 1, 0], [], []>, transpose_lhs_hint = false} : vector<256x576xf32>, vector<1024x256xf32>, vector<576x1024xf32> -> vector<576x1024xf32>
    %broadcast_in_dim3A_39 = vector.shape_cast %get3A_33 : vector<1024xf32> to vector<1x1024xf32>
    %add3A_40 = vector.broadcast %broadcast_in_dim3A : vector<576x1xf32> to vector<576x1024xf32>
    %add3A_41 = vector.broadcast %broadcast_in_dim3A_39 : vector<1x1024xf32> to vector<576x1024xf32>
    %add3A_42 = arith.addf %add3A_40, %add3A_41 : vector<576x1024xf32>
    %sub3A_43 = arith.subf %add3A_42, %dot_general3A_38 : vector<576x1024xf32>
    %reduce_min3A_44 = arith.constant dense<0x7F800000> : vector<576xf32>
    %reduce_min3A_45 = vector.multi_reduction <minimumf>, %sub3A_43, %reduce_min3A_44 [1] : vector<576x1024xf32> to vector<576xf32>
    %broadcast_in_dim3A_46 = vector.shape_cast %reduce_min3A_45 : vector<576xf32> to vector<576x1xf32>
    %eq3A_47 = vector.broadcast %broadcast_in_dim3A_46 : vector<576x1xf32> to vector<576x1024xf32>
    %eq3A_48 = arith.cmpf oeq, %sub3A_43, %eq3A_47 : vector<576x1024xf32>
    %jit3A_49 = arith.constant 8.192000e+03 : f32
    %broadcast_in_dim3A_50 = vector.broadcast %jit3A_49 : f32 to vector<576x1024xf32>
    %select_n3A_51 = arith.select %eq3A_48, %convert_element_type3A, %broadcast_in_dim3A_50 : vector<576x1024xi1>, vector<576x1024xf32>
    %reduce_min3A_52 = arith.constant dense<0x7F800000> : vector<576xf32>
    %reduce_min3A_53 = vector.multi_reduction <minimumf>, %select_n3A_51, %reduce_min3A_52 [1] : vector<576x1024xf32> to vector<576xf32>
    %broadcast_in_dim3A_54 = vector.shape_cast %reduce_min3A_53 : vector<576xf32> to vector<576x1xf32>
    %add3A_55 = arith.constant 1.024000e+03 : f32
    %add3A_56 = vector.broadcast %add3A_55 : f32 to vector<576x1xf32>
    %add3A_57 = arith.addf %broadcast_in_dim3A_54, %add3A_56 : vector<576x1xf32>
    %lt3A = arith.cmpf olt, %broadcast_in_dim3A_46, %broadcast_in_dim3A_20 : vector<576x1xf32>
    %select_n3A_58 = arith.select %lt3A, %broadcast_in_dim3A_46, %broadcast_in_dim3A_20 : vector<576x1xi1>, vector<576x1xf32>
    %select_n3A_59 = arith.select %lt3A, %add3A_57, %add3A_29 : vector<576x1xi1>, vector<576x1xf32>
    %get3A_60 = arith.constant 2 : index
    %get3A_61 = arith.constant 0 : index
    %get3A_62 = vector.load %arg3[%get3A_60, %get3A_61] : memref<8x1024xf32, #tpu.memory_space<vmem>>, vector<1x1024xf32>
    %get3A_63 = vector.shape_cast %get3A_62 : vector<1x1024xf32> to vector<1024xf32>
    %get3A_64 = arith.constant 2048 : index
    %get3A_65 = arith.constant 0 : index
    %get3A_66 = vector.load %arg6[%get3A_64, %get3A_65] : memref<8192x256xf32, #tpu.memory_space<vmem>>, vector<1024x256xf32>
    %dot_general3A_67 = arith.constant dense<0.000000e+00> : vector<576x1024xf32>
    %dot_general3A_68 = tpu.matmul %get3A_3, %get3A_66, %dot_general3A_67 {dimension_numbers = #tpu.dot_dimension_numbers<[0], [1], [1], [0], [0, 1, 1, 0], [], []>, transpose_lhs_hint = false} : vector<256x576xf32>, vector<1024x256xf32>, vector<576x1024xf32> -> vector<576x1024xf32>
    %broadcast_in_dim3A_69 = vector.shape_cast %get3A_63 : vector<1024xf32> to vector<1x1024xf32>
    %add3A_70 = vector.broadcast %broadcast_in_dim3A : vector<576x1xf32> to vector<576x1024xf32>
    %add3A_71 = vector.broadcast %broadcast_in_dim3A_69 : vector<1x1024xf32> to vector<576x1024xf32>
    %add3A_72 = arith.addf %add3A_70, %add3A_71 : vector<576x1024xf32>
    %sub3A_73 = arith.subf %add3A_72, %dot_general3A_68 : vector<576x1024xf32>
    %reduce_min3A_74 = arith.constant dense<0x7F800000> : vector<576xf32>
    %reduce_min3A_75 = vector.multi_reduction <minimumf>, %sub3A_73, %reduce_min3A_74 [1] : vector<576x1024xf32> to vector<576xf32>
    %broadcast_in_dim3A_76 = vector.shape_cast %reduce_min3A_75 : vector<576xf32> to vector<576x1xf32>
    %eq3A_77 = vector.broadcast %broadcast_in_dim3A_76 : vector<576x1xf32> to vector<576x1024xf32>
    %eq3A_78 = arith.cmpf oeq, %sub3A_73, %eq3A_77 : vector<576x1024xf32>
    %jit3A_79 = arith.constant 8.192000e+03 : f32
    %broadcast_in_dim3A_80 = vector.broadcast %jit3A_79 : f32 to vector<576x1024xf32>
    %select_n3A_81 = arith.select %eq3A_78, %convert_element_type3A, %broadcast_in_dim3A_80 : vector<576x1024xi1>, vector<576x1024xf32>
    %reduce_min3A_82 = arith.constant dense<0x7F800000> : vector<576xf32>
    %reduce_min3A_83 = vector.multi_reduction <minimumf>, %select_n3A_81, %reduce_min3A_82 [1] : vector<576x1024xf32> to vector<576xf32>
    %broadcast_in_dim3A_84 = vector.shape_cast %reduce_min3A_83 : vector<576xf32> to vector<576x1xf32>
    %add3A_85 = arith.constant 2.048000e+03 : f32
    %add3A_86 = vector.broadcast %add3A_85 : f32 to vector<576x1xf32>
    %add3A_87 = arith.addf %broadcast_in_dim3A_84, %add3A_86 : vector<576x1xf32>
    %lt3A_88 = arith.cmpf olt, %broadcast_in_dim3A_76, %select_n3A_58 : vector<576x1xf32>
    %select_n3A_89 = arith.select %lt3A_88, %broadcast_in_dim3A_76, %select_n3A_58 : vector<576x1xi1>, vector<576x1xf32>
    %select_n3A_90 = arith.select %lt3A_88, %add3A_87, %select_n3A_59 : vector<576x1xi1>, vector<576x1xf32>
    %get3A_91 = arith.constant 3 : index
    %get3A_92 = arith.constant 0 : index
    %get3A_93 = vector.load %arg3[%get3A_91, %get3A_92] : memref<8x1024xf32, #tpu.memory_space<vmem>>, vector<1x1024xf32>
    %get3A_94 = vector.shape_cast %get3A_93 : vector<1x1024xf32> to vector<1024xf32>
    %get3A_95 = arith.constant 3072 : index
    %get3A_96 = arith.constant 0 : index
    %get3A_97 = vector.load %arg6[%get3A_95, %get3A_96] : memref<8192x256xf32, #tpu.memory_space<vmem>>, vector<1024x256xf32>
    %dot_general3A_98 = arith.constant dense<0.000000e+00> : vector<576x1024xf32>
    %dot_general3A_99 = tpu.matmul %get3A_3, %get3A_97, %dot_general3A_98 {dimension_numbers = #tpu.dot_dimension_numbers<[0], [1], [1], [0], [0, 1, 1, 0], [], []>, transpose_lhs_hint = false} : vector<256x576xf32>, vector<1024x256xf32>, vector<576x1024xf32> -> vector<576x1024xf32>
    %broadcast_in_dim3A_100 = vector.shape_cast %get3A_94 : vector<1024xf32> to vector<1x1024xf32>
    %add3A_101 = vector.broadcast %broadcast_in_dim3A : vector<576x1xf32> to vector<576x1024xf32>
    %add3A_102 = vector.broadcast %broadcast_in_dim3A_100 : vector<1x1024xf32> to vector<576x1024xf32>
    %add3A_103 = arith.addf %add3A_101, %add3A_102 : vector<576x1024xf32>
    %sub3A_104 = arith.subf %add3A_103, %dot_general3A_99 : vector<576x1024xf32>
    %reduce_min3A_105 = arith.constant dense<0x7F800000> : vector<576xf32>
    %reduce_min3A_106 = vector.multi_reduction <minimumf>, %sub3A_104, %reduce_min3A_105 [1] : vector<576x1024xf32> to vector<576xf32>
    %broadcast_in_dim3A_107 = vector.shape_cast %reduce_min3A_106 : vector<576xf32> to vector<576x1xf32>
    %eq3A_108 = vector.broadcast %broadcast_in_dim3A_107 : vector<576x1xf32> to vector<576x1024xf32>
    %eq3A_109 = arith.cmpf oeq, %sub3A_104, %eq3A_108 : vector<576x1024xf32>
    %jit3A_110 = arith.constant 8.192000e+03 : f32
    %broadcast_in_dim3A_111 = vector.broadcast %jit3A_110 : f32 to vector<576x1024xf32>
    %select_n3A_112 = arith.select %eq3A_109, %convert_element_type3A, %broadcast_in_dim3A_111 : vector<576x1024xi1>, vector<576x1024xf32>
    %reduce_min3A_113 = arith.constant dense<0x7F800000> : vector<576xf32>
    %reduce_min3A_114 = vector.multi_reduction <minimumf>, %select_n3A_112, %reduce_min3A_113 [1] : vector<576x1024xf32> to vector<576xf32>
    %broadcast_in_dim3A_115 = vector.shape_cast %reduce_min3A_114 : vector<576xf32> to vector<576x1xf32>
    %add3A_116 = arith.constant 3.072000e+03 : f32
    %add3A_117 = vector.broadcast %add3A_116 : f32 to vector<576x1xf32>
    %add3A_118 = arith.addf %broadcast_in_dim3A_115, %add3A_117 : vector<576x1xf32>
    %lt3A_119 = arith.cmpf olt, %broadcast_in_dim3A_107, %select_n3A_89 : vector<576x1xf32>
    %select_n3A_120 = arith.select %lt3A_119, %broadcast_in_dim3A_107, %select_n3A_89 : vector<576x1xi1>, vector<576x1xf32>
    %select_n3A_121 = arith.select %lt3A_119, %add3A_118, %select_n3A_90 : vector<576x1xi1>, vector<576x1xf32>
    %get3A_122 = arith.constant 4 : index
    %get3A_123 = arith.constant 0 : index
    %get3A_124 = vector.load %arg3[%get3A_122, %get3A_123] : memref<8x1024xf32, #tpu.memory_space<vmem>>, vector<1x1024xf32>
    %get3A_125 = vector.shape_cast %get3A_124 : vector<1x1024xf32> to vector<1024xf32>
    %get3A_126 = arith.constant 4096 : index
    %get3A_127 = arith.constant 0 : index
    %get3A_128 = vector.load %arg6[%get3A_126, %get3A_127] : memref<8192x256xf32, #tpu.memory_space<vmem>>, vector<1024x256xf32>
    %dot_general3A_129 = arith.constant dense<0.000000e+00> : vector<576x1024xf32>
    %dot_general3A_130 = tpu.matmul %get3A_3, %get3A_128, %dot_general3A_129 {dimension_numbers = #tpu.dot_dimension_numbers<[0], [1], [1], [0], [0, 1, 1, 0], [], []>, transpose_lhs_hint = false} : vector<256x576xf32>, vector<1024x256xf32>, vector<576x1024xf32> -> vector<576x1024xf32>
    %broadcast_in_dim3A_131 = vector.shape_cast %get3A_125 : vector<1024xf32> to vector<1x1024xf32>
    %add3A_132 = vector.broadcast %broadcast_in_dim3A : vector<576x1xf32> to vector<576x1024xf32>
    %add3A_133 = vector.broadcast %broadcast_in_dim3A_131 : vector<1x1024xf32> to vector<576x1024xf32>
    %add3A_134 = arith.addf %add3A_132, %add3A_133 : vector<576x1024xf32>
    %sub3A_135 = arith.subf %add3A_134, %dot_general3A_130 : vector<576x1024xf32>
    %reduce_min3A_136 = arith.constant dense<0x7F800000> : vector<576xf32>
    %reduce_min3A_137 = vector.multi_reduction <minimumf>, %sub3A_135, %reduce_min3A_136 [1] : vector<576x1024xf32> to vector<576xf32>
    %broadcast_in_dim3A_138 = vector.shape_cast %reduce_min3A_137 : vector<576xf32> to vector<576x1xf32>
    %eq3A_139 = vector.broadcast %broadcast_in_dim3A_138 : vector<576x1xf32> to vector<576x1024xf32>
    %eq3A_140 = arith.cmpf oeq, %sub3A_135, %eq3A_139 : vector<576x1024xf32>
    %jit3A_141 = arith.constant 8.192000e+03 : f32
    %broadcast_in_dim3A_142 = vector.broadcast %jit3A_141 : f32 to vector<576x1024xf32>
    %select_n3A_143 = arith.select %eq3A_140, %convert_element_type3A, %broadcast_in_dim3A_142 : vector<576x1024xi1>, vector<576x1024xf32>
    %reduce_min3A_144 = arith.constant dense<0x7F800000> : vector<576xf32>
    %reduce_min3A_145 = vector.multi_reduction <minimumf>, %select_n3A_143, %reduce_min3A_144 [1] : vector<576x1024xf32> to vector<576xf32>
    %broadcast_in_dim3A_146 = vector.shape_cast %reduce_min3A_145 : vector<576xf32> to vector<576x1xf32>
    %add3A_147 = arith.constant 4.096000e+03 : f32
    %add3A_148 = vector.broadcast %add3A_147 : f32 to vector<576x1xf32>
    %add3A_149 = arith.addf %broadcast_in_dim3A_146, %add3A_148 : vector<576x1xf32>
    %lt3A_150 = arith.cmpf olt, %broadcast_in_dim3A_138, %select_n3A_120 : vector<576x1xf32>
    %select_n3A_151 = arith.select %lt3A_150, %broadcast_in_dim3A_138, %select_n3A_120 : vector<576x1xi1>, vector<576x1xf32>
    %select_n3A_152 = arith.select %lt3A_150, %add3A_149, %select_n3A_121 : vector<576x1xi1>, vector<576x1xf32>
    %get3A_153 = arith.constant 5 : index
    %get3A_154 = arith.constant 0 : index
    %get3A_155 = vector.load %arg3[%get3A_153, %get3A_154] : memref<8x1024xf32, #tpu.memory_space<vmem>>, vector<1x1024xf32>
    %get3A_156 = vector.shape_cast %get3A_155 : vector<1x1024xf32> to vector<1024xf32>
    %get3A_157 = arith.constant 5120 : index
    %get3A_158 = arith.constant 0 : index
    %get3A_159 = vector.load %arg6[%get3A_157, %get3A_158] : memref<8192x256xf32, #tpu.memory_space<vmem>>, vector<1024x256xf32>
    %dot_general3A_160 = arith.constant dense<0.000000e+00> : vector<576x1024xf32>
    %dot_general3A_161 = tpu.matmul %get3A_3, %get3A_159, %dot_general3A_160 {dimension_numbers = #tpu.dot_dimension_numbers<[0], [1], [1], [0], [0, 1, 1, 0], [], []>, transpose_lhs_hint = false} : vector<256x576xf32>, vector<1024x256xf32>, vector<576x1024xf32> -> vector<576x1024xf32>
    %broadcast_in_dim3A_162 = vector.shape_cast %get3A_156 : vector<1024xf32> to vector<1x1024xf32>
    %add3A_163 = vector.broadcast %broadcast_in_dim3A : vector<576x1xf32> to vector<576x1024xf32>
    %add3A_164 = vector.broadcast %broadcast_in_dim3A_162 : vector<1x1024xf32> to vector<576x1024xf32>
    %add3A_165 = arith.addf %add3A_163, %add3A_164 : vector<576x1024xf32>
    %sub3A_166 = arith.subf %add3A_165, %dot_general3A_161 : vector<576x1024xf32>
    %reduce_min3A_167 = arith.constant dense<0x7F800000> : vector<576xf32>
    %reduce_min3A_168 = vector.multi_reduction <minimumf>, %sub3A_166, %reduce_min3A_167 [1] : vector<576x1024xf32> to vector<576xf32>
    %broadcast_in_dim3A_169 = vector.shape_cast %reduce_min3A_168 : vector<576xf32> to vector<576x1xf32>
    %eq3A_170 = vector.broadcast %broadcast_in_dim3A_169 : vector<576x1xf32> to vector<576x1024xf32>
    %eq3A_171 = arith.cmpf oeq, %sub3A_166, %eq3A_170 : vector<576x1024xf32>
    %jit3A_172 = arith.constant 8.192000e+03 : f32
    %broadcast_in_dim3A_173 = vector.broadcast %jit3A_172 : f32 to vector<576x1024xf32>
    %select_n3A_174 = arith.select %eq3A_171, %convert_element_type3A, %broadcast_in_dim3A_173 : vector<576x1024xi1>, vector<576x1024xf32>
    %reduce_min3A_175 = arith.constant dense<0x7F800000> : vector<576xf32>
    %reduce_min3A_176 = vector.multi_reduction <minimumf>, %select_n3A_174, %reduce_min3A_175 [1] : vector<576x1024xf32> to vector<576xf32>
    %broadcast_in_dim3A_177 = vector.shape_cast %reduce_min3A_176 : vector<576xf32> to vector<576x1xf32>
    %add3A_178 = arith.constant 5.120000e+03 : f32
    %add3A_179 = vector.broadcast %add3A_178 : f32 to vector<576x1xf32>
    %add3A_180 = arith.addf %broadcast_in_dim3A_177, %add3A_179 : vector<576x1xf32>
    %lt3A_181 = arith.cmpf olt, %broadcast_in_dim3A_169, %select_n3A_151 : vector<576x1xf32>
    %select_n3A_182 = arith.select %lt3A_181, %broadcast_in_dim3A_169, %select_n3A_151 : vector<576x1xi1>, vector<576x1xf32>
    %select_n3A_183 = arith.select %lt3A_181, %add3A_180, %select_n3A_152 : vector<576x1xi1>, vector<576x1xf32>
    %get3A_184 = arith.constant 6 : index
    %get3A_185 = arith.constant 0 : index
    %get3A_186 = vector.load %arg3[%get3A_184, %get3A_185] : memref<8x1024xf32, #tpu.memory_space<vmem>>, vector<1x1024xf32>
    %get3A_187 = vector.shape_cast %get3A_186 : vector<1x1024xf32> to vector<1024xf32>
    %get3A_188 = arith.constant 6144 : index
    %get3A_189 = arith.constant 0 : index
    %get3A_190 = vector.load %arg6[%get3A_188, %get3A_189] : memref<8192x256xf32, #tpu.memory_space<vmem>>, vector<1024x256xf32>
    %dot_general3A_191 = arith.constant dense<0.000000e+00> : vector<576x1024xf32>
    %dot_general3A_192 = tpu.matmul %get3A_3, %get3A_190, %dot_general3A_191 {dimension_numbers = #tpu.dot_dimension_numbers<[0], [1], [1], [0], [0, 1, 1, 0], [], []>, transpose_lhs_hint = false} : vector<256x576xf32>, vector<1024x256xf32>, vector<576x1024xf32> -> vector<576x1024xf32>
    %broadcast_in_dim3A_193 = vector.shape_cast %get3A_187 : vector<1024xf32> to vector<1x1024xf32>
    %add3A_194 = vector.broadcast %broadcast_in_dim3A : vector<576x1xf32> to vector<576x1024xf32>
    %add3A_195 = vector.broadcast %broadcast_in_dim3A_193 : vector<1x1024xf32> to vector<576x1024xf32>
    %add3A_196 = arith.addf %add3A_194, %add3A_195 : vector<576x1024xf32>
    %sub3A_197 = arith.subf %add3A_196, %dot_general3A_192 : vector<576x1024xf32>
    %reduce_min3A_198 = arith.constant dense<0x7F800000> : vector<576xf32>
    %reduce_min3A_199 = vector.multi_reduction <minimumf>, %sub3A_197, %reduce_min3A_198 [1] : vector<576x1024xf32> to vector<576xf32>
    %broadcast_in_dim3A_200 = vector.shape_cast %reduce_min3A_199 : vector<576xf32> to vector<576x1xf32>
    %eq3A_201 = vector.broadcast %broadcast_in_dim3A_200 : vector<576x1xf32> to vector<576x1024xf32>
    %eq3A_202 = arith.cmpf oeq, %sub3A_197, %eq3A_201 : vector<576x1024xf32>
    %jit3A_203 = arith.constant 8.192000e+03 : f32
    %broadcast_in_dim3A_204 = vector.broadcast %jit3A_203 : f32 to vector<576x1024xf32>
    %select_n3A_205 = arith.select %eq3A_202, %convert_element_type3A, %broadcast_in_dim3A_204 : vector<576x1024xi1>, vector<576x1024xf32>
    %reduce_min3A_206 = arith.constant dense<0x7F800000> : vector<576xf32>
    %reduce_min3A_207 = vector.multi_reduction <minimumf>, %select_n3A_205, %reduce_min3A_206 [1] : vector<576x1024xf32> to vector<576xf32>
    %broadcast_in_dim3A_208 = vector.shape_cast %reduce_min3A_207 : vector<576xf32> to vector<576x1xf32>
    %add3A_209 = arith.constant 6.144000e+03 : f32
    %add3A_210 = vector.broadcast %add3A_209 : f32 to vector<576x1xf32>
    %add3A_211 = arith.addf %broadcast_in_dim3A_208, %add3A_210 : vector<576x1xf32>
    %lt3A_212 = arith.cmpf olt, %broadcast_in_dim3A_200, %select_n3A_182 : vector<576x1xf32>
    %select_n3A_213 = arith.select %lt3A_212, %broadcast_in_dim3A_200, %select_n3A_182 : vector<576x1xi1>, vector<576x1xf32>
    %select_n3A_214 = arith.select %lt3A_212, %add3A_211, %select_n3A_183 : vector<576x1xi1>, vector<576x1xf32>
    %get3A_215 = arith.constant 7 : index
    %get3A_216 = arith.constant 0 : index
    %get3A_217 = vector.load %arg3[%get3A_215, %get3A_216] : memref<8x1024xf32, #tpu.memory_space<vmem>>, vector<1x1024xf32>
    %get3A_218 = vector.shape_cast %get3A_217 : vector<1x1024xf32> to vector<1024xf32>
    %get3A_219 = arith.constant 7168 : index
    %get3A_220 = arith.constant 0 : index
    %get3A_221 = vector.load %arg6[%get3A_219, %get3A_220] : memref<8192x256xf32, #tpu.memory_space<vmem>>, vector<1024x256xf32>
    %dot_general3A_222 = arith.constant dense<0.000000e+00> : vector<576x1024xf32>
    %dot_general3A_223 = tpu.matmul %get3A_3, %get3A_221, %dot_general3A_222 {dimension_numbers = #tpu.dot_dimension_numbers<[0], [1], [1], [0], [0, 1, 1, 0], [], []>, transpose_lhs_hint = false} : vector<256x576xf32>, vector<1024x256xf32>, vector<576x1024xf32> -> vector<576x1024xf32>
    %broadcast_in_dim3A_224 = vector.shape_cast %get3A_218 : vector<1024xf32> to vector<1x1024xf32>
    %add3A_225 = vector.broadcast %broadcast_in_dim3A : vector<576x1xf32> to vector<576x1024xf32>
    %add3A_226 = vector.broadcast %broadcast_in_dim3A_224 : vector<1x1024xf32> to vector<576x1024xf32>
    %add3A_227 = arith.addf %add3A_225, %add3A_226 : vector<576x1024xf32>
    %sub3A_228 = arith.subf %add3A_227, %dot_general3A_223 : vector<576x1024xf32>
    %reduce_min3A_229 = arith.constant dense<0x7F800000> : vector<576xf32>
    %reduce_min3A_230 = vector.multi_reduction <minimumf>, %sub3A_228, %reduce_min3A_229 [1] : vector<576x1024xf32> to vector<576xf32>
    %broadcast_in_dim3A_231 = vector.shape_cast %reduce_min3A_230 : vector<576xf32> to vector<576x1xf32>
    %eq3A_232 = vector.broadcast %broadcast_in_dim3A_231 : vector<576x1xf32> to vector<576x1024xf32>
    %eq3A_233 = arith.cmpf oeq, %sub3A_228, %eq3A_232 : vector<576x1024xf32>
    %jit3A_234 = arith.constant 8.192000e+03 : f32
    %broadcast_in_dim3A_235 = vector.broadcast %jit3A_234 : f32 to vector<576x1024xf32>
    %select_n3A_236 = arith.select %eq3A_233, %convert_element_type3A, %broadcast_in_dim3A_235 : vector<576x1024xi1>, vector<576x1024xf32>
    %reduce_min3A_237 = arith.constant dense<0x7F800000> : vector<576xf32>
    %reduce_min3A_238 = vector.multi_reduction <minimumf>, %select_n3A_236, %reduce_min3A_237 [1] : vector<576x1024xf32> to vector<576xf32>
    %broadcast_in_dim3A_239 = vector.shape_cast %reduce_min3A_238 : vector<576xf32> to vector<576x1xf32>
    %add3A_240 = arith.constant 7.168000e+03 : f32
    %add3A_241 = vector.broadcast %add3A_240 : f32 to vector<576x1xf32>
    %add3A_242 = arith.addf %broadcast_in_dim3A_239, %add3A_241 : vector<576x1xf32>
    %lt3A_243 = arith.cmpf olt, %broadcast_in_dim3A_231, %select_n3A_213 : vector<576x1xf32>
    %select_n3A_244 = arith.select %lt3A_243, %broadcast_in_dim3A_231, %select_n3A_213 : vector<576x1xi1>, vector<576x1xf32>
    %select_n3A_245 = arith.select %lt3A_243, %add3A_242, %select_n3A_214 : vector<576x1xi1>, vector<576x1xf32>
    %convert_element_type3A_246 = arith.fptosi %select_n3A_245 : vector<576x1xf32> to vector<576x1xi32>
    %swap3A = arith.constant 0 : index
    %swap3A_247 = arith.constant 0 : index
    %swap3A_248 = vector.load %arg4[%swap3A, %swap3A_247] : memref<576x1xi32, #tpu.memory_space<vmem>>, vector<576x1xi32>
    tpu.vector_store %arg4[%swap3A, %swap3A_247], %convert_element_type3A_246 {strides = array<i32>} : memref<576x1xi32, #tpu.memory_space<vmem>>, vector<576x1xi32>,
    %reduce_sum3A_249 = vector.shape_cast %select_n3A_244 : vector<576x1xf32> to vector<1x576x1xf32>
    %reduce_sum3A_250 = arith.constant dense<0.000000e+00> : vector<1xf32>
    %reduce_sum3A_251 = vector.multi_reduction <add>, %reduce_sum3A_249, %reduce_sum3A_250 [1, 2] : vector<1x576x1xf32> to vector<1xf32>
    %reduce_sum3A_252 = vector.shape_cast %reduce_sum3A_251 : vector<1xf32> to vector<1x1x1xf32>
    %reduce_sum3A_253 = vector.extract %reduce_sum3A_252[0, 0, 0] : f32 from vector<1x1x1xf32>
    %eq3A_254 = arith.constant 0 : i32
    %eq3A_255 = arith.cmpi eq, %arg0, %eq3A_254 : i32
    %get3A_256 = arith.constant 0 : index
    %get3A_257 = arith.constant 0 : index
    %get3A_258 = memref.load %arg7[%get3A_256, %get3A_257] : memref<1x1xf32, #tpu.memory_space<smem>>
    %jit3A_259 = arith.constant 0.000000e+00 : f32
    %select_n3A_260 = arith.select %eq3A_255, %jit3A_259, %get3A_258 : f32
    %add3A_261 = arith.addf %select_n3A_260, %reduce_sum3A_253 : f32
    %swap3A_262 = arith.constant 0 : index
    %swap3A_263 = arith.constant 0 : index
    %swap3A_264 = memref.load %arg7[%swap3A_262, %swap3A_263] : memref<1x1xf32, #tpu.memory_space<smem>>
    memref.store %add3A_261, %arg7[%swap3A_262, %swap3A_263] : memref<1x1xf32, #tpu.memory_space<smem>>
    %eq3A_265 = arith.constant 7 : i32
    %eq3A_266 = arith.cmpi eq, %arg0, %eq3A_265 : i32
    %convert_element_type3A_267 = arith.extui %eq3A_266 : i1 to i32
    %cond3A_268 = arith.constant 0 : i32
    %cond3A_269 = arith.cmpi ne, %convert_element_type3A_267, %cond3A_268 : i32
    scf.if %cond3A_269 {
      %swap3A_270 = arith.constant 0 : index
      %swap3A_271 = arith.constant 0 : index
      %swap3A_272 = memref.load %arg5[%swap3A_270, %swap3A_271] : memref<1x1xf32, #tpu.memory_space<smem>>
      memref.store %add3A_261, %arg5[%swap3A_270, %swap3A_271] : memref<1x1xf32, #tpu.memory_space<smem>>
    } else {
    }
    return
  }
  func.func @transform_0(%arg0: i32) -> (i32, i32, i32) {
    %c0_i32 = arith.constant 0 : i32
    %c0_i32_0 = arith.constant 0 : i32
    %c0_i32_1 = arith.constant 0 : i32
    return %arg0, %c0_i32, %c0_i32_0 : i32, i32, i32
  }
  func.func @transform_1(%arg0: i32) -> (i32, i32) {
    %c0_i32 = arith.constant 0 : i32
    %c0_i32_0 = arith.constant 0 : i32
    %c0_i32_1 = arith.constant 0 : i32
    return %c0_i32, %c0_i32_0 : i32, i32
  }
  func.func @transform_2(%arg0: i32) -> (i32, i32) {
    %c0_i32 = arith.constant 0 : i32
    %c0_i32_0 = arith.constant 0 : i32
    %c0_i32_1 = arith.constant 0 : i32
    return %c0_i32, %c0_i32_0 : i32, i32
  }
  func.func @transform_3(%arg0: i32) -> (i32, i32) {
    %c0_i32 = arith.constant 0 : i32
    %c0_i32_0 = arith.constant 0 : i32
    return %arg0, %c0_i32 : i32, i32
  }
  func.func @transform_4(%arg0: i32) -> (i32, i32) {
    %c0_i32 = arith.constant 0 : i32
    %c0_i32_0 = arith.constant 0 : i32
    %c0_i32_1 = arith.constant 0 : i32
    return %c0_i32, %c0_i32_0 : i32, i32
  }
}

</mosaic_0001>

<sc_bundles>
// kernel: kernel.4.cloned.1.call-start
scs
__scs_entry_jumppad:
0x0: {  	(pc) =	sbr.rel $0x88, $3  }
0x1: {  	(tag) =	ssettag $0x0;
	lr =	simm.s32 $0x1  }
0x2: {  	[smem:$0x3F9F] =	sst lr;
	_ =	strace $0xD0000000  }
0x3: {  	_ = 	snop  }
0x4: {  	_ = 	snop  }
0x5: {  	_ = 	snop  }
0x6: {  	_ = 	snop  }
0x7: {  	_ = 	snop  }
__scs_overlays_trampoline_lowered:
0x8: {  	[smem:$0x3FAE] =	sst s0  }
0x9: {  	[smem:$0x3FAF] =	sst s1  }
0xa: {  	[smem:$0x3FB0] =	sst s2  }
0xb: {  	[smem:$0x3FB1] =	sst s3  }
0xc: {  	[smem:$0x3FB2] =	sst s4  }
0xd: {  	[smem:$0x3FB3] =	sst s5  }
0xe: {  	[smem:$0x3FB4] =	sst s6  }
0xf: {  	[smem:$0x3FB5] =	sst s7  }
0x10: {  	[smem:$0x3FB6] =	sst s8  }
0x11: {  	[smem:$0x3FB7] =	sst s9;
	s0 =	simm.s32 @!p0 $0x0  }
0x12: {  	s1 =	sld [smem:$0x3F9D];
	s0 =	simm.s32 @p0 $0x1  }
0x13: {  	[smem:$0x3FB8] =	sst s0;
	s0 =	simm.s32 @!p1 $0x0  }
0x14: {  	s2 =	sld [smem:$0x3F9C];
	s0 =	simm.s32 @p1 $0x1  }
0x15: {  	[smem:$0x3FB9] =	sst s0;
	s0 =	simm.s32 @!p2 $0x0  }
0x16: {  	s3 =	sld [smem:$0x3FDB];
	s0 =	simm.s32 @p2 $0x1  }
0x17: {  	s4 =	simm.s32 $0x1BF5;
	[smem:$0x3FBB] =	sst s0  }
0x18: {  	s0 =	sld [smem:$0x3F9E];
	_ =	swait.ge [sflag:s4], $0x0  }
0x19: {  	s7 =	sld [smem:$0x3F9F]  }
0x1a: {  	s8 =	sadd.s32 $0xFFFFE003, lr  }
0x1b: {  	s9 =	sadd.s32 $0xFFFFFEF7, lr;
	s5 =	simm.s32 $0xFFFFFFFF;
	p2 =	slt.u32 s8, $0xFFFFF086  }
0x1c: {  	p1 =	slt.u32 s9, $0xF7A;
	s5 =	simm.s32 @!p2 $0x0  }
0x1d: {  	s5 =	simm.s32 @p1 $0x1;
	p0 =	seq.s32 s7, s2  }
0x1e: {  	s7 =	smul.u32 @!p0 $0xF7A, s2;
	p2 =	seq.s32 @!p0 s5, $0x0  }
0x1f: {  	s9 =	smul.u32 $0xF7A, s1;
	s8 =	simm.s32 @!p0 $0x1BF5;
	p2 =	por !p2, p0  }
0x20: {  	[sflag:s8] =	ssyncset.s32 @!p0 $0xFFFFF086;
	s6 =	sadd.s32 @!p0 s3, s7;
	s7 =	simm.s32 @!p0 $0x108  }
0x21: {  	s3 =	sadd.s32 s3, s9;
	s6 =	sadd.s32 @!p0 $0x88, s6;
	s7 =	simm.s32 @p2 $0x1082  }
0x22: {  	[simem:s7], [sflag:s8] =	dma.local @!p0 [hbm:s6], $0xF7A  }
0x23: {  	s9 =	sor.u32 $0xD0000000, s2;
	s6 =	simm.s32 $0x108;
	_ =	swait.ge @!p0 [sflag:s8], $0x0  }
0x24: {  	s3 =	sadd.s32 $0x88, s3;
	s6 =	simm.s32 @!p1 $0x1082;
	[sflag:s4] =	ssyncset.s32 $0xFFFFF086  }
0x25: {  	[simem:s6], [sflag:s4] =	dma.local [hbm:s3], $0xF7A  }
0x26: {  	[smem:$0x3F9F] =	sst s1;
	(tag) =	ssettag s2;
	_ =	strace s9  }
0x27: {  	s1 =	sld [smem:$0x3FAF]  }
0x28: {  	s2 =	sld [smem:$0x3FB0]  }
0x29: {  	s4 =	sld [smem:$0x3FB2]  }
0x2a: {  	p0 =	seq.s32 s5, $0x0;
	s5 =	sld [smem:$0x3FB3]  }
0x2b: {  	s6 =	sld [smem:$0x3FB4]  }
0x2c: {  	s7 =	sld [smem:$0x3FB5]  }
0x2d: {  	s3 =	simm.s32 $0x108;
	s8 =	sld [smem:$0x3FB6]  }
0x2e: {  	s3 =	simm.s32 @!p0 $0x1082;
	s9 =	sld [smem:$0x3FB7]  }
0x2f: {  	lr =	sadd.s32 s0, s3;
	s0 =	sld [smem:$0x3FAE]  }
0x30: {  	s3 =	sld [smem:$0x3FB1]  }
0x31: {  	[smem:$0x3FBA] =	sst s10  }
0x32: {  	s10 =	sld [smem:$0x3FB8];
	_ =	sdelay $0x3  }
0x33: {  	p0 =	seq.s32 s10, $0x1;
	s10 =	sld [smem:$0x3FBA];
	_ =	sdelay $0x3  }
0x34: {  	[smem:$0x3FBA] =	sst s10  }
0x35: {  	s10 =	sld [smem:$0x3FB9];
	_ =	sdelay $0x3  }
0x36: {  	p1 =	seq.s32 s10, $0x1;
	s10 =	sld [smem:$0x3FBA];
	_ =	sdelay $0x3  }
0x37: {  	[smem:$0x3FBA] =	sst s10  }
0x38: {  	s10 =	sld [smem:$0x3FBB]  }
0x39: {  	_ = 	snop;
	(pc) =	sbr.ind lr, $3  }
0x3a: {  	_ = 	snop  }
0x3b: {  	_ = 	snop  }
0x3c: {  	p2 =	seq.s32 s10, $0x1;
	s10 =	sld [smem:$0x3FBA]  }
0x3d: {  	_ =	shalt  }
0x3e: {  	_ =	shalt  }
0x3f: {  	_ =	shalt  }
0x40: {  	_ =	shalt  }
0x41: {  	_ =	shalt  }
0x42: {  	_ =	shalt  }
0x43: {  	_ =	shalt  }
0x44: {  	_ =	shalt  }
0x45: {  	_ =	shalt  }
0x46: {  	_ =	shalt  }
0x47: {  	_ =	shalt  }
0x48: {  	_ =	shalt  }
0x49: {  	_ =	shalt  }
0x4a: {  	_ =	shalt  }
0x4b: {  	_ =	shalt  }
0x4c: {  	_ =	shalt  }
0x4d: {  	_ =	shalt  }
0x4e: {  	_ =	shalt  }
0x4f: {  	_ =	shalt  }
0x50: {  	_ =	shalt  }
0x51: {  	_ =	shalt  }
0x52: {  	_ =	shalt  }
0x53: {  	_ =	shalt  }
0x54: {  	_ =	shalt  }
0x55: {  	_ =	shalt  }
0x56: {  	_ =	shalt  }
0x57: {  	_ =	shalt  }
0x58: {  	_ =	shalt  }
0x59: {  	_ =	shalt  }
0x5a: {  	_ =	shalt  }
0x5b: {  	_ =	shalt  }
0x5c: {  	_ =	shalt  }
0x5d: {  	_ =	shalt  }
0x5e: {  	_ =	shalt  }
0x5f: {  	_ =	shalt  }
0x60: {  	_ =	shalt  }
0x61: {  	_ =	shalt  }
0x62: {  	_ =	shalt  }
0x63: {  	_ =	shalt  }
0x64: {  	_ =	shalt  }
0x65: {  	_ =	shalt  }
0x66: {  	_ =	shalt  }
0x67: {  	_ =	shalt  }
0x68: {  	_ =	shalt  }
0x69: {  	_ =	shalt  }
0x6a: {  	_ =	shalt  }
0x6b: {  	_ =	shalt  }
0x6c: {  	_ =	shalt  }
0x6d: {  	_ =	shalt  }
0x6e: {  	_ =	shalt  }
0x6f: {  	_ =	shalt  }
0x70: {  	_ =	shalt  }
0x71: {  	_ =	shalt  }
0x72: {  	_ =	shalt  }
0x73: {  	_ =	shalt  }
0x74: {  	_ =	shalt  }
0x75: {  	_ =	shalt  }
0x76: {  	_ =	shalt  }
0x77: {  	_ =	shalt  }
0x78: {  	_ =	shalt  }
0x79: {  	_ =	shalt  }
0x7a: {  	_ =	shalt  }
0x7b: {  	_ =	shalt  }
0x7c: {  	_ =	shalt  }
0x7d: {  	_ =	shalt  }
0x7e: {  	_ =	shalt  }
0x7f: {  	_ =	shalt  }
0x80: {  	_ =	shalt  }
0x81: {  	_ =	shalt  }
0x82: {  	_ =	shalt  }
0x83: {  	_ =	shalt  }
0x84: {  	_ =	shalt  }
0x85: {  	_ =	shalt  }
0x86: {  	_ =	shalt  }
0x87: {  	_ =	shalt  }
.Lfunc_end0:
.L_simem_size_0:
called_computation_lowered:
.L_overlay_start_0:
0x88: {  	s2 =	sld [smem:$0x3FD9]  }
0x89: {  	s3 =	sld [smem:$0x3FFE];
	_ =	sdelay $0x1  }
0x8a: {  	s1 =	srdreg.scid  }
0x8b: {  	s0 =	sand.u32 $0x1, s1  }
0x8c: {  	s14 =	sshll.u32 s0, $0xA;
	s2 =	sadd.s32 s3, s2  }
0x8d: {  	s2 =	sadd.s32 s2, s14  }
0x8e: {  	[smem:$0x3FC6] =	sst s2  }
0x8f: {  	_ = 	snop  }
0x90: {  	s2 =	sld [smem:$0x3FD0];
	_ =	sdelay $0x2  }
0x91: {  	s4 =	simm.s32 $0xA;
	s5 =	simm.s32 $0x10;
	s15 =	sld [smem:$0x3FC8]  }
0x92: {  	[smem:s5], [sflag:s4] =	dma.local [hbm:s2], $0x1  }
0x93: {  	_ =	swait.eq [sflag:s4], $0x1  }
0x94: {  	[sflag:s4] =	ssyncset.done $0x0  }
0x95: {  	[sflag:s4] =	ssyncadd.s32 $0xFFFFFFFF  }
0x96: {  	s16 =	sld [smem:$0x10];
	(tm) =	ssettm $0x1  }
0x97: {  	s17 =	sld [smem:$0x3FFB];
	_ =	sdelay $0x3  }
0x98: {  	_ =	strace s17  }
0x99: {  	s4 =	sld [smem:$0x3FFC];
	_ =	sdelay $0x3  }
0x9a: {  	_ =	strace s4  }
0x9b: {  	s4 =	sld [smem:$0x3FFD];
	_ =	sdelay $0x3  }
0x9c: {  	_ =	strace s4  }
0x9d: {  	_ =	strace $0x8FFFFFFF  }
0x9e: {  	s18 =	sld [smem:$0x3FDB];
	_ =	sdelay $0x1  }
0x9f: {  	s19 =	simm.s32 $_scs_section_size  }
0xa0: {  	s6 =	simm.s32 $_size__tile_overlayer_lowered;
	s7 =	simm.s32 $_tile_overlayer_lowered  }
0xa1: {  	s22 =	simm.s32 $0x1BFF;
	s21 =	sshll.u32 s7, $0x1;
	s4 =	sadd.s32 s19, s18  }
0xa2: {  	s8 =	simm.s32 $0x0;
	s20 =	sshll.u32 s6, $0x1;
	s6 =	sadd.s32 s21, s4  }
0xa3: {  	[timem:s8], [sflag:s22] =	dma.local [hbm:s6], s20  }
0xa4: {  	_ =	swait.ge [sflag:s22], s20  }
0xa5: {  	s5 =	ssub.s32 $0x0, s20;
	[sflag:s22] =	ssyncset.done $0x0  }
0xa6: {  	[sflag:s22] =	ssyncadd.s32 s5;
	_ =	sdelay $0x1  }
0xa7: {  	s23 =	simm.s32 $0x1B8B  }
0xa8: {  	_ =	swait.ge [sflag:s23], $0x1  }
0xa9: {  	[sflag:s23] =	ssyncset.done $0x0  }
0xaa: {  	s25 =	simm.s32 $0x1B8E;
	s24 =	sld [smem:$0x3FFE];
	[sflag:s23] =	ssyncadd.s32 $0xFFFFFFFF  }
0xab: {  	s26 =	simm.s32 $execute0_lowered;
	[smem:$0x3FD2] =	sst s25  }
0xac: {  	s6 =	sshll.u32 s26, $0x1;
	_ =	strace $0x80000046;
	[dreg:$0x1] =	wrdreg $0xFFFFFFFF  }
0xad: {  	s28 =	simm.s32 $_size_execute0_lowered;
	s4 =	sadd.s32 s4, s6;
	[dreg:$0x0] =	wrdreg $0x0  }
0xae: {  	s6 =	sshll.u32 s28, $0x1;
	[dreg:$0x2] =	wrdreg s4  }
0xaf: {  	[dreg:$0x3] =	wrdreg s6  }
0xb0: {  	[dreg:$0x4] =	wrdreg $0xC0  }
0xb1: {  	_ =	task [dreg:s8], $0x5FFFF  }
0xb2: {  	[dreg:$0x1] =	wrdreg $0xFFFFFFFF  }
0xb3: {  	[dreg:$0x0] =	wrdreg $0x60  }
0xb4: {  	[dreg:$0x2] =	wrdreg s15  }
0xb5: {  	[dreg:$0x3] =	wrdreg s24  }
0xb6: {  	[dreg:$0x4] =	wrdreg s16  }
0xb7: {  	[dreg:$0x5] =	wrdreg $0x9  }
0xb8: {  	_ =	task.clear_ibuf [dreg:s8], $0x6FFFF;
	_ =	strace $0x90000046  }
0xb9: {  	s29 =	simm.s32 $0x9;
	_ =	strace $0x80000048  }
0xba: {  	_ =	swait.ge [sflag:s29], $0x1  }
0xbb: {  	[sflag:s29] =	ssyncadd.s32 $0xFFFFFFFF  }
0xbc: {  	_ =	strace $0x90000048  }
0xbd: {  	_ =	sfence  }
0xbe: {  	s30 =	sld [smem:$0x0];
	_ =	sdelay $0x2  }
0xbf: {  	s31 =	sshll.u32 s1, $0xD;
	s1 =	sshrl.u32 s1, $0x2  }
0xc0: {  	s3 =	sand.u32 $0x4000, s31;
	s1 =	sadd.s32 s1, s30  }
0xc1: {  	s0 =	sor.u32 s3, s0;
	s1 =	sshll.u32 s1, $0x11  }
0xc2: {  	s0 =	sor.u32 s1, s0  }
0xc3: {  	s0 =	sadd.s32 $0x8F2B, s0  }
0xc4: {  	[sflag:s0] =	ssyncadd.remote.s32 $0x1  }
0xc5: {  	_ =	sfence.sel $0xFFFF  }
0xc6: {  	[dreg:$0x0] =	wrdreg $0xFFFFFFFF;
	(pc) =	sbr.abs _section_cstart, $3  }
0xc7: {  	[dreg:$0x1] =	wrdreg $0xFFFFFFFF  }
0xc8: {  	_ =	task.clear_ibuf [dreg:s8], $0x2FFFF;
	_ =	strace $0x9FFFFFFF  }
0xc9: {  	(tm) =	ssettm $0x7FFFFFFF  }
tec
execute0_lowered:
.L_overlay_start_1:
0x0: {  	(tag) =	ssettag $0x1  }
0x1: {  	s1 =	rddreg [dreg:$0x0]  }
0x2: {  	s2 =	srdreg.scid;
	s4 =	rddreg [dreg:$0x1]  }
0x3: {  	s0 =	stileid.u32;
	s6 =	rddreg [dreg:$0x2]  }
0x4: {  	s3 =	simm.s32 $0x0;
	s9 =	simm.s32 $0x900;
	s10 =	simm.s32 $0x1100  }
0x5: {  	s11 =	simm.s32 $0x1900;
	s12 =	simm.s32 $0x2100;
	s13 =	simm.s32 $0x2900  }
0x6: {  	s14 =	simm.s32 $0x3100;
	s15 =	simm.s32 $0x3900;
	s16 =	simm.s32 $0x4100  }
0x7: {  	s17 =	simm.s32 $0x4900;
	s18 =	simm.s32 $0x5100;
	s19 =	simm.s32 $0x5900  }
0x8: {  	s20 =	simm.s32 $0x6100;
	s21 =	simm.s32 $0x6900;
	s22 =	simm.s32 $0x7100  }
0x9: {  	s23 =	simm.s32 $0x7900;
	s5 =	sand.u32 $0x1, s2;
	s30 =	sshll.u32 s0, $0x1  }
0xa: {  	s24 =	simm.s32 $0x8100;
	s25 =	simm.s32 $0x8900;
	s7 =	sor.u32 s5, s30  }
0xb: {  	s26 =	simm.s32 $0x1;
	s2 =	rddreg [dreg:$0x3];
	s8 =	smul.u32 $0x12, s7  }
0xc: {  	[smem:$0x7FF] =	sst s3;
	s5 =	ssub.s32 $0x2, s5;
	s7 =	smul.u32 $0x1200, s7  }
0xd: {  	v2 =	vlaneseq.u32;
	_ =	strace $0x80000047;
	s31 =	sshrl.u32 s5, $0x1;
	s4 =	sadd.s32 s8, s4  }
0xe: {  	vm0 =	vmmov $0xffff;
	v1 =	vshrl.u32 v2, $0x3;
	s8 =	ssub.s32 s5, s31;
	s5 =	sadd.s32 s6, s7;
	s7 =	simm.s32 $0x2  }
0xf: {  	v0 =	vand.u32 $0x7, v2;
	v2 =	vor.u32 $0x8, v2;
	v1 =	vmul.u32 $0x8, v1;
	s4 =	sadd.s32 $0x600, s4;
	s6 =	smax.u32 s8, $0x1;
	s8 =	simm.s32 $0x100  }
.LBB2_1:
0x10: {  	[tilespmem:s3], [sflag:$0x2] =	stream.linear.gather [hbm4b:s4+s3], $0x90, $0x38;
	[tilespmem:$0x9100] =	vst v63  }
0x11: {  	_ =	swait.ge [sflag:s7], $0x90  }
0x12: {  	[sflag:s7] =	ssyncset.done $0x0  }
0x13: {  	[sflag:s7] =	ssyncadd.s32 $0xFFFFFF70  }
0x14: {  	v3 =	vld [tilespmem:$0x0];
	_ =	sdelay $0x4  }
0x15: {  	v4 =	vshll.u32 v3, $0x1  }
0x16: {  	v3 =	vand.u32 $0x7, v3;
	v4 =	vand.u32 $0xFFFFFFF0, v4  }
0x17: {  	v3 =	vor.u32 v3, v4  }
0x18: {  	v4 =	vperm.xlane v3, v0;
	_ =	sdelay $0x1  }
0x19: {  	v3 =	vperm.xlane v3, v2;
	v4 =	vadd.s32 v1, v4;
	_ =	sdelay $0x1  }
0x1a: {  	v3 =	vadd.s32 v1, v3;
	_ =	sdelay $0x2  }
0x1b: {  	[tilespmem:s8], [sflag:$0x1] =	stream.indirect_vreg.gather [hbm4b:s1+s3], $0x80, v4, vm0, $0xb8;
	[tilespmem:$0x9100] =	vst v63  }
0x1c: {  	_ = 	snop  }
0x1d: {  	[tilespmem:s9], [sflag:$0x1] =	stream.indirect_vreg.gather [hbm4b:s1+s3], $0x80, v3, vm0, $0xb8;
	[tilespmem:$0x9100] =	vst v63  }
0x1e: {  	v3 =	vld [tilespmem:$0x10];
	_ =	sdelay $0x4  }
0x1f: {  	v56 =	vshll.u32 v3, $0x1  }
0x20: {  	v3 =	vand.u32 $0x7, v3;
	v4 =	vand.u32 $0xFFFFFFF0, v56  }
0x21: {  	v3 =	vor.u32 v3, v4  }
0x22: {  	v4 =	vperm.xlane v3, v0;
	_ =	sdelay $0x1  }
0x23: {  	v3 =	vperm.xlane v3, v2;
	v4 =	vadd.s32 v1, v4;
	_ =	sdelay $0x1  }
0x24: {  	v3 =	vadd.s32 v1, v3;
	_ =	sdelay $0x2  }
0x25: {  	[tilespmem:s10], [sflag:$0x1] =	stream.indirect_vreg.gather [hbm4b:s1+s3], $0x80, v4, vm0, $0xb8;
	[tilespmem:$0x9100] =	vst v63  }
0x26: {  	_ = 	snop  }
0x27: {  	[tilespmem:s11], [sflag:$0x1] =	stream.indirect_vreg.gather [hbm4b:s1+s3], $0x80, v3, vm0, $0xb8;
	[tilespmem:$0x9100] =	vst v63  }
0x28: {  	v3 =	vld [tilespmem:$0x20];
	_ =	sdelay $0x4  }
0x29: {  	v57 =	vshll.u32 v3, $0x1  }
0x2a: {  	v3 =	vand.u32 $0x7, v3;
	v4 =	vand.u32 $0xFFFFFFF0, v57  }
0x2b: {  	v3 =	vor.u32 v3, v4  }
0x2c: {  	v4 =	vperm.xlane v3, v0;
	_ =	sdelay $0x1  }
0x2d: {  	v3 =	vperm.xlane v3, v2;
	v4 =	vadd.s32 v1, v4;
	_ =	sdelay $0x1  }
0x2e: {  	v3 =	vadd.s32 v1, v3;
	_ =	sdelay $0x2  }
0x2f: {  	[tilespmem:s12], [sflag:$0x1] =	stream.indirect_vreg.gather [hbm4b:s1+s3], $0x80, v4, vm0, $0xb8;
	[tilespmem:$0x9100] =	vst v63  }
0x30: {  	_ = 	snop  }
0x31: {  	[tilespmem:s13], [sflag:$0x1] =	stream.indirect_vreg.gather [hbm4b:s1+s3], $0x80, v3, vm0, $0xb8;
	[tilespmem:$0x9100] =	vst v63  }
0x32: {  	v3 =	vld [tilespmem:$0x30];
	_ =	sdelay $0x4  }
0x33: {  	v58 =	vshll.u32 v3, $0x1  }
0x34: {  	v3 =	vand.u32 $0x7, v3;
	v4 =	vand.u32 $0xFFFFFFF0, v58  }
0x35: {  	v3 =	vor.u32 v3, v4  }
0x36: {  	v4 =	vperm.xlane v3, v0;
	_ =	sdelay $0x1  }
0x37: {  	v3 =	vperm.xlane v3, v2;
	v4 =	vadd.s32 v1, v4;
	_ =	sdelay $0x1  }
0x38: {  	v3 =	vadd.s32 v1, v3;
	_ =	sdelay $0x2  }
0x39: {  	[tilespmem:s14], [sflag:$0x1] =	stream.indirect_vreg.gather [hbm4b:s1+s3], $0x80, v4, vm0, $0xb8;
	[tilespmem:$0x9100] =	vst v63  }
0x3a: {  	_ = 	snop  }
0x3b: {  	[tilespmem:s15], [sflag:$0x1] =	stream.indirect_vreg.gather [hbm4b:s1+s3], $0x80, v3, vm0, $0xb8;
	[tilespmem:$0x9100] =	vst v63  }
0x3c: {  	v3 =	vld [tilespmem:$0x40];
	_ =	sdelay $0x4  }
0x3d: {  	v59 =	vshll.u32 v3, $0x1  }
0x3e: {  	v3 =	vand.u32 $0x7, v3;
	v4 =	vand.u32 $0xFFFFFFF0, v59  }
0x3f: {  	v3 =	vor.u32 v3, v4  }
0x40: {  	v4 =	vperm.xlane v3, v0;
	_ =	sdelay $0x1  }
0x41: {  	v3 =	vperm.xlane v3, v2;
	v4 =	vadd.s32 v1, v4;
	_ =	sdelay $0x1  }
0x42: {  	v3 =	vadd.s32 v1, v3;
	_ =	sdelay $0x2  }
0x43: {  	[tilespmem:s16], [sflag:$0x1] =	stream.indirect_vreg.gather [hbm4b:s1+s3], $0x80, v4, vm0, $0xb8;
	[tilespmem:$0x9100] =	vst v63  }
0x44: {  	_ = 	snop  }
0x45: {  	[tilespmem:s17], [sflag:$0x1] =	stream.indirect_vreg.gather [hbm4b:s1+s3], $0x80, v3, vm0, $0xb8;
	[tilespmem:$0x9100] =	vst v63  }
0x46: {  	v3 =	vld [tilespmem:$0x50];
	_ =	sdelay $0x4  }
0x47: {  	v60 =	vshll.u32 v3, $0x1  }
0x48: {  	v3 =	vand.u32 $0x7, v3;
	v4 =	vand.u32 $0xFFFFFFF0, v60  }
0x49: {  	v3 =	vor.u32 v3, v4  }
0x4a: {  	v4 =	vperm.xlane v3, v0;
	_ =	sdelay $0x1  }
0x4b: {  	v3 =	vperm.xlane v3, v2;
	v4 =	vadd.s32 v1, v4;
	_ =	sdelay $0x1  }
0x4c: {  	v3 =	vadd.s32 v1, v3;
	_ =	sdelay $0x2  }
0x4d: {  	[tilespmem:s18], [sflag:$0x1] =	stream.indirect_vreg.gather [hbm4b:s1+s3], $0x80, v4, vm0, $0xb8;
	[tilespmem:$0x9100] =	vst v63  }
0x4e: {  	_ = 	snop  }
0x4f: {  	[tilespmem:s19], [sflag:$0x1] =	stream.indirect_vreg.gather [hbm4b:s1+s3], $0x80, v3, vm0, $0xb8;
	[tilespmem:$0x9100] =	vst v63  }
0x50: {  	v3 =	vld [tilespmem:$0x60];
	_ =	sdelay $0x4  }
0x51: {  	v61 =	vshll.u32 v3, $0x1  }
0x52: {  	v3 =	vand.u32 $0x7, v3;
	v4 =	vand.u32 $0xFFFFFFF0, v61  }
0x53: {  	v3 =	vor.u32 v3, v4  }
0x54: {  	v4 =	vperm.xlane v3, v0;
	_ =	sdelay $0x1  }
0x55: {  	v3 =	vperm.xlane v3, v2;
	v4 =	vadd.s32 v1, v4;
	_ =	sdelay $0x1  }
0x56: {  	v3 =	vadd.s32 v1, v3;
	_ =	sdelay $0x2  }
0x57: {  	[tilespmem:s20], [sflag:$0x1] =	stream.indirect_vreg.gather [hbm4b:s1+s3], $0x80, v4, vm0, $0xb8;
	[tilespmem:$0x9100] =	vst v63  }
0x58: {  	_ = 	snop  }
0x59: {  	[tilespmem:s21], [sflag:$0x1] =	stream.indirect_vreg.gather [hbm4b:s1+s3], $0x80, v3, vm0, $0xb8;
	[tilespmem:$0x9100] =	vst v63  }
0x5a: {  	v3 =	vld [tilespmem:$0x70];
	_ =	sdelay $0x4  }
0x5b: {  	v62 =	vshll.u32 v3, $0x1  }
0x5c: {  	v3 =	vand.u32 $0x7, v3;
	v4 =	vand.u32 $0xFFFFFFF0, v62  }
0x5d: {  	v3 =	vor.u32 v3, v4  }
0x5e: {  	v4 =	vperm.xlane v3, v0;
	_ =	sdelay $0x1  }
0x5f: {  	v3 =	vperm.xlane v3, v2;
	v4 =	vadd.s32 v1, v4;
	_ =	sdelay $0x1  }
0x60: {  	v3 =	vadd.s32 v1, v3;
	_ =	sdelay $0x2  }
0x61: {  	[tilespmem:s22], [sflag:$0x1] =	stream.indirect_vreg.gather [hbm4b:s1+s3], $0x80, v4, vm0, $0xb8;
	[tilespmem:$0x9100] =	vst v63  }
0x62: {  	_ = 	snop  }
0x63: {  	[tilespmem:s23], [sflag:$0x1] =	stream.indirect_vreg.gather [hbm4b:s1+s3], $0x80, v3, vm0, $0xb8;
	[tilespmem:$0x9100] =	vst v63  }
0x64: {  	v3 =	vld [tilespmem:$0x80];
	_ =	sdelay $0x4  }
0x65: {  	v63 =	vshll.u32 v3, $0x1  }
0x66: {  	v3 =	vand.u32 $0x7, v3;
	v4 =	vand.u32 $0xFFFFFFF0, v63  }
0x67: {  	v3 =	vor.u32 v3, v4  }
0x68: {  	v4 =	vperm.xlane v3, v0;
	_ =	sdelay $0x1  }
0x69: {  	v3 =	vperm.xlane v3, v2;
	v4 =	vadd.s32 v1, v4;
	_ =	sdelay $0x1  }
0x6a: {  	v3 =	vadd.s32 v1, v3;
	_ =	sdelay $0x2  }
0x6b: {  	[tilespmem:s24], [sflag:$0x1] =	stream.indirect_vreg.gather [hbm4b:s1+s3], $0x80, v4, vm0, $0xb8;
	[tilespmem:$0x9100] =	vst v63  }
0x6c: {  	_ = 	snop  }
0x6d: {  	[tilespmem:s25], [sflag:$0x1] =	stream.indirect_vreg.gather [hbm4b:s1+s3], $0x80, v3, vm0, $0xb8;
	[tilespmem:$0x9100] =	vst v63  }
0x6e: {  	_ =	swait.ge [sflag:s26], $0x9000  }
0x6f: {  	p0 =	sne.s32 s6, $0x1;
	[sflag:s26] =	ssyncset.done $0x0  }
.Ltmp0:
0x70: {  	[sflag:s26] =	ssyncadd.s32 $0xFFFF7000;
	(pc) =	sbr.rel @p0 .LBB2_1-.Ltmp0, $4  }
0x71: {  	[hbm4b:s5+s3] =	stream.linear.scatter [tilespmem:s8], [sflag:$0x2], $0x9000, $0x38;
	[tilespmem:$0x9100] =	vst v63  }
0x72: {  	_ =	swait.ge [sflag:s7], $0x9000  }
0x73: {  	[sflag:s7] =	ssyncset.done $0x0  }
0x74: {  	s6 =	sadd.s32 $0xFFFFFFFF, s6;
	[sflag:s7] =	ssyncadd.s32 $0xFFFF7000  }
0x75: {  	_ =	sfence.sel $0x180000  }
0x76: {  	[bflag:$0x0] =	sbarrier.arrive $0xFFFF  }
0x77: {  	p0 =	sne.s32 s0, $0x0;
	_ =	strace $0x90000047  }
0x78: {  	s0 =	sadd.s32 @!p0 $0x100000, s2;
	[bflag:$0x2] =	sbarrier.arrive $0xFFFF  }
0x79: {  	[sflag:s0] =	ssyncadd.tile.s32 @!p0 $0x1;
	_ =	shalt  }
.Lfunc_end2:
_tile_overlayer_lowered:
.L_overlay_start_2:
0x7a: {  	(tag) =	ssettag $0x2  }
0x7b: {  	s0 =	rddreg [dreg:$0x0];
	s2 =	stileid.u32  }
0x7c: {  	s1 =	rddreg [dreg:$0x1];
	p0 =	sne.s32 s2, $0x0  }
0x7d: {  	s3 =	rddreg [dreg:$0x2];
	[bflag:$0x3] =	sbarrier.arrive $0xFFFF;
	s2 =	simm.s32 @!p0 $0x1C02  }
0x7e: {  	[timem:s3], [sflag:s2] =	dma.local @!p0 [hbm:s0], s1  }
0x7f: {  	s0 =	simm.s32 @!p0 $0x2  }
0x80: {  	_ =	swait.ge @!p0 [sflag:s0], s1  }
0x81: {  	s1 =	ssub.s32 @!p0 $0x0, s1;
	[sflag:s0] =	ssyncset.done @!p0 $0x0  }
0x82: {  	[sflag:s0] =	ssyncadd.s32 @!p0 s1  }
0x83: {  	[bflag:$0x3] =	sbarrier.arrive $0xFFFF  }
0x84: {  	_ =	shalt  }

</sc_bundles>
